<compile_context>
chip_gen: v7x
topology: tpu7x:2x2x1
jax: 0.10.2.dev20260603
libtpu: 0.0.44.dev20260713+nightly
codegen_flags: <defaults>
</compile_context>

<pallas_src>
import functools

import jax
import jax.numpy as jnp
from jax import lax
from jax.experimental import pallas as pl
from jax.experimental.pallas import tpu as pltpu
from jax.experimental.pallas import tpu_sc as plsc

_BATCH = 16384
_EMB = 64
_CHUNK = 128


def _sc_gather(table, tgt, ctx):
    info = plsc.get_sparse_core_info()
    nc, ns = info.num_cores, info.num_subcores
    nw = nc * ns
    b = tgt.shape[0]
    per_w = b // nw
    n_ch = per_w // _CHUNK
    mesh = plsc.VectorSubcoreMesh(core_axis_name="c", subcore_axis_name="s")

    @functools.partial(
        pl.kernel,
        mesh=mesh,
        compiler_params=pltpu.CompilerParams(use_tc_tiling_on_sc=False),
        out_type=jax.ShapeDtypeStruct((b, 2 * _EMB), jnp.float32),
        scratch_types=[
            pltpu.VMEM((per_w,), jnp.int32),
            pltpu.VMEM((per_w,), jnp.int32),
            pltpu.VMEM((_CHUNK, _EMB), jnp.float32),
            pltpu.VMEM((_CHUNK, _EMB), jnp.float32),
            pltpu.VMEM((_CHUNK, _EMB), jnp.float32),
            pltpu.VMEM((_CHUNK, _EMB), jnp.float32),
            pltpu.SemaphoreType.DMA,
            pltpu.SemaphoreType.DMA,
            pltpu.SemaphoreType.DMA,
            pltpu.SemaphoreType.DMA,
        ],
    )
    def k(tgt_hbm, ctx_hbm, table_hbm, out_hbm, ti_v, ci_v,
          rows_a, rows_b, rows_c, rows_d, s_a, s_b, s_c, s_d):
        wid = lax.axis_index("s") * nc + lax.axis_index("c")
        base = wid * per_w
        pltpu.sync_copy(tgt_hbm.at[pl.ds(base, per_w)], ti_v)
        pltpu.sync_copy(ctx_hbm.at[pl.ds(base, per_w)], ci_v)
        bufs = ((rows_a, s_a), (rows_b, s_b), (rows_c, s_c), (rows_d, s_d))
        copies = [None] * 4
        n_items = 2 * n_ch
        for c in range(n_items + 2):
            if c < n_items:
                ch, side = c // 2, c % 2
                idx_ref = (ti_v, ci_v)[side]
                rows, sem = bufs[c % 4]
                copies[c % 4] = pltpu.async_copy(
                    table_hbm.at[idx_ref.at[pl.ds(ch * _CHUNK, _CHUNK)]],
                    rows, sem)
            if c >= 2:
                p = c - 2
                ch, side = p // 2, p % 2
                rows, _ = bufs[p % 4]
                copies[p % 4].wait()
                pltpu.sync_copy(
                    rows,
                    out_hbm.at[pl.ds(base + ch * _CHUNK, _CHUNK),
                               pl.ds(side * _EMB, _EMB)])

    return k(tgt, ctx, table)


def _tc_mlp(xy, w1, b1, w2, b2, w3, b3):
    blk = 1024
    n_blk = _BATCH // blk

    def body(xy_ref, w1_ref, b1_ref, w2_ref, b2_ref, w3_ref, b3_ref, o_ref):
        shared = xy_ref[:, :_EMB] * xy_ref[:, _EMB:]
        h1 = jnp.maximum(
            jnp.dot(shared, w1_ref[...], preferred_element_type=jnp.float32)
            + b1_ref[...], 0.0)
        h2 = jnp.maximum(
            jnp.dot(h1, w2_ref[...], preferred_element_type=jnp.float32)
            + b2_ref[...], 0.0)
        z = jnp.dot(h2, w3_ref[...], preferred_element_type=jnp.float32) \
            + b3_ref[...]
        o_ref[...] = jax.nn.sigmoid(z)

    zero2 = lambda i: (0, 0)
    return pl.pallas_call(
        body,
        grid=(n_blk,),
        in_specs=[
            pl.BlockSpec((blk, 2 * _EMB), lambda i: (i, 0)),
            pl.BlockSpec((_EMB, 64), zero2),
            pl.BlockSpec((1, 64), zero2),
            pl.BlockSpec((64, 32), zero2),
            pl.BlockSpec((1, 32), zero2),
            pl.BlockSpec((32, 1), zero2),
            pl.BlockSpec((1, 1), zero2),
        ],
        out_specs=pl.BlockSpec((blk, 1), lambda i: (i, 0)),
        out_shape=jax.ShapeDtypeStruct((_BATCH, 1), jnp.float32),
    )(xy, w1, b1, w2, b2, w3, b3)


def kernel(target_word, context_word, table, W1, b1, W2, b2, W3, b3):
    xy = _sc_gather(table, target_word.astype(jnp.int32),
                    context_word.astype(jnp.int32))
    out = _tc_mlp(xy, W1, b1.reshape(1, -1), W2, b2.reshape(1, -1), W3,
                  b3.reshape(1, 1))
    return jnp.reshape(out, (-1,))

# --- scband reference (transcript-rebuilt; emitter-appended) ---
"""Pipeline reference for scband-skip-gram-model-75720273428797 (READ-ONLY COPY).

The authoritative reference and input builder live on the scoring server;
editing this copy changes nothing except your own understanding.
"""

import jax, jax.numpy as jnp
import numpy as np

VOCAB = 1000000
EMB = 64
BATCH = 16384


def setup_inputs(seed: int = 0) -> dict:
    key = jax.random.key(seed)
    k0, k1, k2, k3, k4, k5, k6, k7, k8, k9 = jax.random.split(key, 10)
    target_word = jax.random.randint(k0, (BATCH,), 0, VOCAB, dtype=jnp.int64 if jax.config.jax_enable_x64 else jnp.int32)
    context_word = jax.random.randint(k1, (BATCH,), 0, VOCAB, dtype=jnp.int64 if jax.config.jax_enable_x64 else jnp.int32)
    table = jax.random.normal(k2, (VOCAB, EMB), dtype=jnp.float32) * 0.05
    W1 = jax.random.normal(k3, (EMB, 64), dtype=jnp.float32) * (1.0 / np.sqrt(EMB))
    b1 = jnp.zeros((64,), dtype=jnp.float32)
    W2 = jax.random.normal(k4, (64, 32), dtype=jnp.float32) * (1.0 / np.sqrt(64))
    b2 = jnp.zeros((32,), dtype=jnp.float32)
    W3 = jax.random.normal(k5, (32, 1), dtype=jnp.float32) * (1.0 / np.sqrt(32))
    b3 = jnp.zeros((1,), dtype=jnp.float32)
    return {
        "target_word": target_word,
        "context_word": context_word,
        "table": table,
        "W1": W1, "b1": b1,
        "W2": W2, "b2": b2,
        "W3": W3, "b3": b3,
    }


def reference(target_word, context_word, table, W1, b1, W2, b2, W3, b3):
    # shared embedding lookups (gather)
    x = jnp.take(table, target_word, axis=0)   # [B, EMB]
    y = jnp.take(table, context_word, axis=0)  # [B, EMB]
    # flatten is a no-op for [B, EMB] after input_length=1 squeeze
    shared = x * y
    h1 = jax.nn.relu(shared @ W1 + b1)
    # dropout disabled (inference / deterministic reference)
    h2 = jax.nn.relu(h1 @ W2 + b2)
    out = jax.nn.sigmoid(h2 @ W3 + b3)
    return jnp.reshape(out, (-1,))

if __name__ == "__main__":
    import jax
    _d = setup_inputs()
    print(jax.jit(kernel)(*tuple(_d.values())))

</pallas_src>

<mosaic_0001>
#map = affine_map<(d0, d1) -> (0)>
#map1 = affine_map<(d0, d1) -> (0, 0)>
module attributes {stable_mosaic.version = 14 : i64} {
  func.func @k(%arg0: i32, %arg1: i32, %arg2: memref<16384xi32, #tpu.memory_space<hbm>>, %arg3: memref<16384xi32, #tpu.memory_space<hbm>>, %arg4: memref<1000000x64xf32, #tpu.memory_space<hbm>>, %arg5: memref<16384x128xf32, #tpu.memory_space<hbm>>, %arg6: memref<512xi32, #tpu.memory_space<vmem>>, %arg7: memref<512xi32, #tpu.memory_space<vmem>>, %arg8: memref<128x64xf32, #tpu.memory_space<vmem>>, %arg9: memref<128x64xf32, #tpu.memory_space<vmem>>, %arg10: memref<128x64xf32, #tpu.memory_space<vmem>>, %arg11: memref<128x64xf32, #tpu.memory_space<vmem>>, %arg12: memref<!tpu.dma_semaphore, #tpu.memory_space<semaphore_mem>>, %arg13: memref<!tpu.dma_semaphore, #tpu.memory_space<semaphore_mem>>, %arg14: memref<!tpu.dma_semaphore, #tpu.memory_space<semaphore_mem>>, %arg15: memref<!tpu.dma_semaphore, #tpu.memory_space<semaphore_mem>>) attributes {dimension_semantics = [#tpu.dimension_semantics<core_parallel>, #tpu.dimension_semantics<subcore_parallel>], iteration_bounds = array<i64: 2, 16>, scalar_prefetch = 0 : i64, scratch_operands = 10 : i64, tpu.core_type = #tpu.core_type<sc_vector_subcore>, window_params = [{transform_indices = #map}, {transform_indices = #map}, {transform_indices = #map1}, {transform_indices = #map1}]} {
    %mul3A = arith.constant 2 : i32
    %mul3A_0 = arith.muli %arg1, %mul3A : i32
    %add3A = arith.addi %mul3A_0, %arg0 : i32
    %mul3A_1 = arith.constant 512 : i32
    %mul3A_2 = arith.muli %add3A, %mul3A_1 : i32
    "tpu.region"() ({
      %run_scoped3A = tpu.sem_alloc : memref<!tpu.dma_semaphore, #tpu.memory_space<semaphore_mem>>
      %dma_start3A_97 = tpu.memref_slice %arg2[%mul3A_2] : memref<16384xi32, #tpu.memory_space<hbm>> -> memref<512xi32, #tpu.memory_space<hbm>>
      %dma_start3A_98 = tpu.memref_slice %arg2[%mul3A_2] : memref<16384xi32, #tpu.memory_space<hbm>> -> memref<512xi32, #tpu.memory_space<hbm>>
      tpu.enqueue_dma source(%dma_start3A_98 : memref<512xi32, #tpu.memory_space<hbm>>) target(%arg6 : memref<512xi32, #tpu.memory_space<vmem>>) target_semaphore(%run_scoped3A : memref<!tpu.dma_semaphore, #tpu.memory_space<semaphore_mem>>)
      %dma_wait3A_99 = tpu.memref_slice %arg2[%mul3A_2] : memref<16384xi32, #tpu.memory_space<hbm>> -> memref<512xi32, #tpu.memory_space<hbm>>
      %dma_wait3A_100 = tpu.memref_slice %arg2[%mul3A_2] : memref<16384xi32, #tpu.memory_space<hbm>> -> memref<512xi32, #tpu.memory_space<hbm>>
      tpu.wait_dma2 semaphore(%run_scoped3A : memref<!tpu.dma_semaphore, #tpu.memory_space<semaphore_mem>>) src(%dma_wait3A_100 : memref<512xi32, #tpu.memory_space<hbm>>) dst(%arg6 : memref<512xi32, #tpu.memory_space<vmem>>)
      tpu.yield
    }) : () -> ()
    "tpu.region"() ({
      %run_scoped3A = tpu.sem_alloc : memref<!tpu.dma_semaphore, #tpu.memory_space<semaphore_mem>>
      %dma_start3A_97 = tpu.memref_slice %arg3[%mul3A_2] : memref<16384xi32, #tpu.memory_space<hbm>> -> memref<512xi32, #tpu.memory_space<hbm>>
      %dma_start3A_98 = tpu.memref_slice %arg3[%mul3A_2] : memref<16384xi32, #tpu.memory_space<hbm>> -> memref<512xi32, #tpu.memory_space<hbm>>
      tpu.enqueue_dma source(%dma_start3A_98 : memref<512xi32, #tpu.memory_space<hbm>>) target(%arg7 : memref<512xi32, #tpu.memory_space<vmem>>) target_semaphore(%run_scoped3A : memref<!tpu.dma_semaphore, #tpu.memory_space<semaphore_mem>>)
      %dma_wait3A_99 = tpu.memref_slice %arg3[%mul3A_2] : memref<16384xi32, #tpu.memory_space<hbm>> -> memref<512xi32, #tpu.memory_space<hbm>>
      %dma_wait3A_100 = tpu.memref_slice %arg3[%mul3A_2] : memref<16384xi32, #tpu.memory_space<hbm>> -> memref<512xi32, #tpu.memory_space<hbm>>
      tpu.wait_dma2 semaphore(%run_scoped3A : memref<!tpu.dma_semaphore, #tpu.memory_space<semaphore_mem>>) src(%dma_wait3A_100 : memref<512xi32, #tpu.memory_space<hbm>>) dst(%arg7 : memref<512xi32, #tpu.memory_space<vmem>>)
      tpu.yield
    }) : () -> ()
    %dma_start3A = arith.constant 0 : i32
    %dma_start3A_3 = tpu.memref_slice %arg6[%dma_start3A] : memref<512xi32, #tpu.memory_space<vmem>> -> memref<128xi32, #tpu.memory_space<vmem>>
    %dma_start3A_4 = arith.constant 0 : i32
    %dma_start3A_5 = arith.constant 0 : i32
    %dma_start3A_6 = tpu.memref_slice %arg4[%dma_start3A_4, %dma_start3A_5] : memref<1000000x64xf32, #tpu.memory_space<hbm>> -> memref<1000000x64xf32, #tpu.memory_space<hbm>>
    tpu.enqueue_indirect_dma source(%dma_start3A_6 : memref<1000000x64xf32, #tpu.memory_space<hbm>>) target(%arg8 : memref<128x64xf32, #tpu.memory_space<vmem>>) offsets(%dma_start3A_3 : memref<128xi32, #tpu.memory_space<vmem>>) semaphore(%arg12 : memref<!tpu.dma_semaphore, #tpu.memory_space<semaphore_mem>>)
    %dma_start3A_7 = arith.constant 0 : i32
    %dma_start3A_8 = tpu.memref_slice %arg7[%dma_start3A_7] : memref<512xi32, #tpu.memory_space<vmem>> -> memref<128xi32, #tpu.memory_space<vmem>>
    %dma_start3A_9 = arith.constant 0 : i32
    %dma_start3A_10 = arith.constant 0 : i32
    %dma_start3A_11 = tpu.memref_slice %arg4[%dma_start3A_9, %dma_start3A_10] : memref<1000000x64xf32, #tpu.memory_space<hbm>> -> memref<1000000x64xf32, #tpu.memory_space<hbm>>
    tpu.enqueue_indirect_dma source(%dma_start3A_11 : memref<1000000x64xf32, #tpu.memory_space<hbm>>) target(%arg9 : memref<128x64xf32, #tpu.memory_space<vmem>>) offsets(%dma_start3A_8 : memref<128xi32, #tpu.memory_space<vmem>>) semaphore(%arg13 : memref<!tpu.dma_semaphore, #tpu.memory_space<semaphore_mem>>)
    %dma_start3A_12 = arith.constant 128 : i32
    %dma_start3A_13 = tpu.memref_slice %arg6[%dma_start3A_12] : memref<512xi32, #tpu.memory_space<vmem>> -> memref<128xi32, #tpu.memory_space<vmem>>
    %dma_start3A_14 = arith.constant 0 : i32
    %dma_start3A_15 = arith.constant 0 : i32
    %dma_start3A_16 = tpu.memref_slice %arg4[%dma_start3A_14, %dma_start3A_15] : memref<1000000x64xf32, #tpu.memory_space<hbm>> -> memref<1000000x64xf32, #tpu.memory_space<hbm>>
    tpu.enqueue_indirect_dma source(%dma_start3A_16 : memref<1000000x64xf32, #tpu.memory_space<hbm>>) target(%arg10 : memref<128x64xf32, #tpu.memory_space<vmem>>) offsets(%dma_start3A_13 : memref<128xi32, #tpu.memory_space<vmem>>) semaphore(%arg14 : memref<!tpu.dma_semaphore, #tpu.memory_space<semaphore_mem>>)
    %dma_wait3A = arith.constant 0 : i32
    %dma_wait3A_17 = tpu.memref_slice %arg6[%dma_wait3A] : memref<512xi32, #tpu.memory_space<vmem>> -> memref<128xi32, #tpu.memory_space<vmem>>
    %dma_wait3A_18 = arith.constant 0 : i32
    %dma_wait3A_19 = arith.constant 0 : i32
    %dma_wait3A_20 = tpu.memref_slice %arg4[%dma_wait3A_18, %dma_wait3A_19] : memref<1000000x64xf32, #tpu.memory_space<hbm>> -> memref<1000000x64xf32, #tpu.memory_space<hbm>>
    tpu.wait_indirect_dma semaphore(%arg12 : memref<!tpu.dma_semaphore, #tpu.memory_space<semaphore_mem>>) src(%dma_wait3A_20 : memref<1000000x64xf32, #tpu.memory_space<hbm>>) dst(%arg8 : memref<128x64xf32, #tpu.memory_space<vmem>>)
    %add3A_21 = arith.constant 0 : i32
    %add3A_22 = arith.addi %mul3A_2, %add3A_21 : i32
    "tpu.region"() ({
      %run_scoped3A = tpu.sem_alloc : memref<!tpu.dma_semaphore, #tpu.memory_space<semaphore_mem>>
      %dma_start3A_97 = arith.constant 0 : i32
      %dma_start3A_98 = tpu.memref_slice %arg5[%add3A_22, %dma_start3A_97] : memref<16384x128xf32, #tpu.memory_space<hbm>> -> memref<128x64xf32, #tpu.memory_space<hbm>>
      %dma_start3A_99 = arith.constant 0 : i32
      %dma_start3A_100 = tpu.memref_slice %arg5[%add3A_22, %dma_start3A_99] : memref<16384x128xf32, #tpu.memory_space<hbm>> -> memref<128x64xf32, #tpu.memory_space<hbm>>
      tpu.enqueue_dma source(%arg8 : memref<128x64xf32, #tpu.memory_space<vmem>>) target(%dma_start3A_100 : memref<128x64xf32, #tpu.memory_space<hbm>>) target_semaphore(%run_scoped3A : memref<!tpu.dma_semaphore, #tpu.memory_space<semaphore_mem>>)
      %dma_wait3A_101 = arith.constant 0 : i32
      %dma_wait3A_102 = tpu.memref_slice %arg5[%add3A_22, %dma_wait3A_101] : memref<16384x128xf32, #tpu.memory_space<hbm>> -> memref<128x64xf32, #tpu.memory_space<hbm>>
      %dma_wait3A_103 = arith.constant 0 : i32
      %dma_wait3A_104 = tpu.memref_slice %arg5[%add3A_22, %dma_wait3A_103] : memref<16384x128xf32, #tpu.memory_space<hbm>> -> memref<128x64xf32, #tpu.memory_space<hbm>>
      tpu.wait_dma2 semaphore(%run_scoped3A : memref<!tpu.dma_semaphore, #tpu.memory_space<semaphore_mem>>) src(%arg8 : memref<128x64xf32, #tpu.memory_space<vmem>>) dst(%dma_wait3A_104 : memref<128x64xf32, #tpu.memory_space<hbm>>)
      tpu.yield
    }) : () -> ()
    %dma_start3A_23 = arith.constant 128 : i32
    %dma_start3A_24 = tpu.memref_slice %arg7[%dma_start3A_23] : memref<512xi32, #tpu.memory_space<vmem>> -> memref<128xi32, #tpu.memory_space<vmem>>
    %dma_start3A_25 = arith.constant 0 : i32
    %dma_start3A_26 = arith.constant 0 : i32
    %dma_start3A_27 = tpu.memref_slice %arg4[%dma_start3A_25, %dma_start3A_26] : memref<1000000x64xf32, #tpu.memory_space<hbm>> -> memref<1000000x64xf32, #tpu.memory_space<hbm>>
    tpu.enqueue_indirect_dma source(%dma_start3A_27 : memref<1000000x64xf32, #tpu.memory_space<hbm>>) target(%arg11 : memref<128x64xf32, #tpu.memory_space<vmem>>) offsets(%dma_start3A_24 : memref<128xi32, #tpu.memory_space<vmem>>) semaphore(%arg15 : memref<!tpu.dma_semaphore, #tpu.memory_space<semaphore_mem>>)
    %dma_wait3A_28 = arith.constant 0 : i32
    %dma_wait3A_29 = tpu.memref_slice %arg7[%dma_wait3A_28] : memref<512xi32, #tpu.memory_space<vmem>> -> memref<128xi32, #tpu.memory_space<vmem>>
    %dma_wait3A_30 = arith.constant 0 : i32
    %dma_wait3A_31 = arith.constant 0 : i32
    %dma_wait3A_32 = tpu.memref_slice %arg4[%dma_wait3A_30, %dma_wait3A_31] : memref<1000000x64xf32, #tpu.memory_space<hbm>> -> memref<1000000x64xf32, #tpu.memory_space<hbm>>
    tpu.wait_indirect_dma semaphore(%arg13 : memref<!tpu.dma_semaphore, #tpu.memory_space<semaphore_mem>>) src(%dma_wait3A_32 : memref<1000000x64xf32, #tpu.memory_space<hbm>>) dst(%arg9 : memref<128x64xf32, #tpu.memory_space<vmem>>)
    %add3A_33 = arith.constant 0 : i32
    %add3A_34 = arith.addi %mul3A_2, %add3A_33 : i32
    "tpu.region"() ({
      %run_scoped3A = tpu.sem_alloc : memref<!tpu.dma_semaphore, #tpu.memory_space<semaphore_mem>>
      %dma_start3A_97 = arith.constant 64 : i32
      %dma_start3A_98 = tpu.memref_slice %arg5[%add3A_34, %dma_start3A_97] : memref<16384x128xf32, #tpu.memory_space<hbm>> -> memref<128x64xf32, #tpu.memory_space<hbm>>
      %dma_start3A_99 = arith.constant 64 : i32
      %dma_start3A_100 = tpu.memref_slice %arg5[%add3A_34, %dma_start3A_99] : memref<16384x128xf32, #tpu.memory_space<hbm>> -> memref<128x64xf32, #tpu.memory_space<hbm>>
      tpu.enqueue_dma source(%arg9 : memref<128x64xf32, #tpu.memory_space<vmem>>) target(%dma_start3A_100 : memref<128x64xf32, #tpu.memory_space<hbm>>) target_semaphore(%run_scoped3A : memref<!tpu.dma_semaphore, #tpu.memory_space<semaphore_mem>>)
      %dma_wait3A_101 = arith.constant 64 : i32
      %dma_wait3A_102 = tpu.memref_slice %arg5[%add3A_34, %dma_wait3A_101] : memref<16384x128xf32, #tpu.memory_space<hbm>> -> memref<128x64xf32, #tpu.memory_space<hbm>>
      %dma_wait3A_103 = arith.constant 64 : i32
      %dma_wait3A_104 = tpu.memref_slice %arg5[%add3A_34, %dma_wait3A_103] : memref<16384x128xf32, #tpu.memory_space<hbm>> -> memref<128x64xf32, #tpu.memory_space<hbm>>
      tpu.wait_dma2 semaphore(%run_scoped3A : memref<!tpu.dma_semaphore, #tpu.memory_space<semaphore_mem>>) src(%arg9 : memref<128x64xf32, #tpu.memory_space<vmem>>) dst(%dma_wait3A_104 : memref<128x64xf32, #tpu.memory_space<hbm>>)
      tpu.yield
    }) : () -> ()
    %dma_start3A_35 = arith.constant 256 : i32
    %dma_start3A_36 = tpu.memref_slice %arg6[%dma_start3A_35] : memref<512xi32, #tpu.memory_space<vmem>> -> memref<128xi32, #tpu.memory_space<vmem>>
    %dma_start3A_37 = arith.constant 0 : i32
    %dma_start3A_38 = arith.constant 0 : i32
    %dma_start3A_39 = tpu.memref_slice %arg4[%dma_start3A_37, %dma_start3A_38] : memref<1000000x64xf32, #tpu.memory_space<hbm>> -> memref<1000000x64xf32, #tpu.memory_space<hbm>>
    tpu.enqueue_indirect_dma source(%dma_start3A_39 : memref<1000000x64xf32, #tpu.memory_space<hbm>>) target(%arg8 : memref<128x64xf32, #tpu.memory_space<vmem>>) offsets(%dma_start3A_36 : memref<128xi32, #tpu.memory_space<vmem>>) semaphore(%arg12 : memref<!tpu.dma_semaphore, #tpu.memory_space<semaphore_mem>>)
    %dma_wait3A_40 = arith.constant 128 : i32
    %dma_wait3A_41 = tpu.memref_slice %arg6[%dma_wait3A_40] : memref<512xi32, #tpu.memory_space<vmem>> -> memref<128xi32, #tpu.memory_space<vmem>>
    %dma_wait3A_42 = arith.constant 0 : i32
    %dma_wait3A_43 = arith.constant 0 : i32
    %dma_wait3A_44 = tpu.memref_slice %arg4[%dma_wait3A_42, %dma_wait3A_43] : memref<1000000x64xf32, #tpu.memory_space<hbm>> -> memref<1000000x64xf32, #tpu.memory_space<hbm>>
    tpu.wait_indirect_dma semaphore(%arg14 : memref<!tpu.dma_semaphore, #tpu.memory_space<semaphore_mem>>) src(%dma_wait3A_44 : memref<1000000x64xf32, #tpu.memory_space<hbm>>) dst(%arg10 : memref<128x64xf32, #tpu.memory_space<vmem>>)
    %add3A_45 = arith.constant 128 : i32
    %add3A_46 = arith.addi %mul3A_2, %add3A_45 : i32
    "tpu.region"() ({
      %run_scoped3A = tpu.sem_alloc : memref<!tpu.dma_semaphore, #tpu.memory_space<semaphore_mem>>
      %dma_start3A_97 = arith.constant 0 : i32
      %dma_start3A_98 = tpu.memref_slice %arg5[%add3A_46, %dma_start3A_97] : memref<16384x128xf32, #tpu.memory_space<hbm>> -> memref<128x64xf32, #tpu.memory_space<hbm>>
      %dma_start3A_99 = arith.constant 0 : i32
      %dma_start3A_100 = tpu.memref_slice %arg5[%add3A_46, %dma_start3A_99] : memref<16384x128xf32, #tpu.memory_space<hbm>> -> memref<128x64xf32, #tpu.memory_space<hbm>>
      tpu.enqueue_dma source(%arg10 : memref<128x64xf32, #tpu.memory_space<vmem>>) target(%dma_start3A_100 : memref<128x64xf32, #tpu.memory_space<hbm>>) target_semaphore(%run_scoped3A : memref<!tpu.dma_semaphore, #tpu.memory_space<semaphore_mem>>)
      %dma_wait3A_101 = arith.constant 0 : i32
      %dma_wait3A_102 = tpu.memref_slice %arg5[%add3A_46, %dma_wait3A_101] : memref<16384x128xf32, #tpu.memory_space<hbm>> -> memref<128x64xf32, #tpu.memory_space<hbm>>
      %dma_wait3A_103 = arith.constant 0 : i32
      %dma_wait3A_104 = tpu.memref_slice %arg5[%add3A_46, %dma_wait3A_103] : memref<16384x128xf32, #tpu.memory_space<hbm>> -> memref<128x64xf32, #tpu.memory_space<hbm>>
      tpu.wait_dma2 semaphore(%run_scoped3A : memref<!tpu.dma_semaphore, #tpu.memory_space<semaphore_mem>>) src(%arg10 : memref<128x64xf32, #tpu.memory_space<vmem>>) dst(%dma_wait3A_104 : memref<128x64xf32, #tpu.memory_space<hbm>>)
      tpu.yield
    }) : () -> ()
    %dma_start3A_47 = arith.constant 256 : i32
    %dma_start3A_48 = tpu.memref_slice %arg7[%dma_start3A_47] : memref<512xi32, #tpu.memory_space<vmem>> -> memref<128xi32, #tpu.memory_space<vmem>>
    %dma_start3A_49 = arith.constant 0 : i32
    %dma_start3A_50 = arith.constant 0 : i32
    %dma_start3A_51 = tpu.memref_slice %arg4[%dma_start3A_49, %dma_start3A_50] : memref<1000000x64xf32, #tpu.memory_space<hbm>> -> memref<1000000x64xf32, #tpu.memory_space<hbm>>
    tpu.enqueue_indirect_dma source(%dma_start3A_51 : memref<1000000x64xf32, #tpu.memory_space<hbm>>) target(%arg9 : memref<128x64xf32, #tpu.memory_space<vmem>>) offsets(%dma_start3A_48 : memref<128xi32, #tpu.memory_space<vmem>>) semaphore(%arg13 : memref<!tpu.dma_semaphore, #tpu.memory_space<semaphore_mem>>)
    %dma_wait3A_52 = arith.constant 128 : i32
    %dma_wait3A_53 = tpu.memref_slice %arg7[%dma_wait3A_52] : memref<512xi32, #tpu.memory_space<vmem>> -> memref<128xi32, #tpu.memory_space<vmem>>
    %dma_wait3A_54 = arith.constant 0 : i32
    %dma_wait3A_55 = arith.constant 0 : i32
    %dma_wait3A_56 = tpu.memref_slice %arg4[%dma_wait3A_54, %dma_wait3A_55] : memref<1000000x64xf32, #tpu.memory_space<hbm>> -> memref<1000000x64xf32, #tpu.memory_space<hbm>>
    tpu.wait_indirect_dma semaphore(%arg15 : memref<!tpu.dma_semaphore, #tpu.memory_space<semaphore_mem>>) src(%dma_wait3A_56 : memref<1000000x64xf32, #tpu.memory_space<hbm>>) dst(%arg11 : memref<128x64xf32, #tpu.memory_space<vmem>>)
    %add3A_57 = arith.constant 128 : i32
    %add3A_58 = arith.addi %mul3A_2, %add3A_57 : i32
    "tpu.region"() ({
      %run_scoped3A = tpu.sem_alloc : memref<!tpu.dma_semaphore, #tpu.memory_space<semaphore_mem>>
      %dma_start3A_97 = arith.constant 64 : i32
      %dma_start3A_98 = tpu.memref_slice %arg5[%add3A_58, %dma_start3A_97] : memref<16384x128xf32, #tpu.memory_space<hbm>> -> memref<128x64xf32, #tpu.memory_space<hbm>>
      %dma_start3A_99 = arith.constant 64 : i32
      %dma_start3A_100 = tpu.memref_slice %arg5[%add3A_58, %dma_start3A_99] : memref<16384x128xf32, #tpu.memory_space<hbm>> -> memref<128x64xf32, #tpu.memory_space<hbm>>
      tpu.enqueue_dma source(%arg11 : memref<128x64xf32, #tpu.memory_space<vmem>>) target(%dma_start3A_100 : memref<128x64xf32, #tpu.memory_space<hbm>>) target_semaphore(%run_scoped3A : memref<!tpu.dma_semaphore, #tpu.memory_space<semaphore_mem>>)
      %dma_wait3A_101 = arith.constant 64 : i32
      %dma_wait3A_102 = tpu.memref_slice %arg5[%add3A_58, %dma_wait3A_101] : memref<16384x128xf32, #tpu.memory_space<hbm>> -> memref<128x64xf32, #tpu.memory_space<hbm>>
      %dma_wait3A_103 = arith.constant 64 : i32
      %dma_wait3A_104 = tpu.memref_slice %arg5[%add3A_58, %dma_wait3A_103] : memref<16384x128xf32, #tpu.memory_space<hbm>> -> memref<128x64xf32, #tpu.memory_space<hbm>>
      tpu.wait_dma2 semaphore(%run_scoped3A : memref<!tpu.dma_semaphore, #tpu.memory_space<semaphore_mem>>) src(%arg11 : memref<128x64xf32, #tpu.memory_space<vmem>>) dst(%dma_wait3A_104 : memref<128x64xf32, #tpu.memory_space<hbm>>)
      tpu.yield
    }) : () -> ()
    %dma_start3A_59 = arith.constant 384 : i32
    %dma_start3A_60 = tpu.memref_slice %arg6[%dma_start3A_59] : memref<512xi32, #tpu.memory_space<vmem>> -> memref<128xi32, #tpu.memory_space<vmem>>
    %dma_start3A_61 = arith.constant 0 : i32
    %dma_start3A_62 = arith.constant 0 : i32
    %dma_start3A_63 = tpu.memref_slice %arg4[%dma_start3A_61, %dma_start3A_62] : memref<1000000x64xf32, #tpu.memory_space<hbm>> -> memref<1000000x64xf32, #tpu.memory_space<hbm>>
    tpu.enqueue_indirect_dma source(%dma_start3A_63 : memref<1000000x64xf32, #tpu.memory_space<hbm>>) target(%arg10 : memref<128x64xf32, #tpu.memory_space<vmem>>) offsets(%dma_start3A_60 : memref<128xi32, #tpu.memory_space<vmem>>) semaphore(%arg14 : memref<!tpu.dma_semaphore, #tpu.memory_space<semaphore_mem>>)
    %dma_wait3A_64 = arith.constant 256 : i32
    %dma_wait3A_65 = tpu.memref_slice %arg6[%dma_wait3A_64] : memref<512xi32, #tpu.memory_space<vmem>> -> memref<128xi32, #tpu.memory_space<vmem>>
    %dma_wait3A_66 = arith.constant 0 : i32
    %dma_wait3A_67 = arith.constant 0 : i32
    %dma_wait3A_68 = tpu.memref_slice %arg4[%dma_wait3A_66, %dma_wait3A_67] : memref<1000000x64xf32, #tpu.memory_space<hbm>> -> memref<1000000x64xf32, #tpu.memory_space<hbm>>
    tpu.wait_indirect_dma semaphore(%arg12 : memref<!tpu.dma_semaphore, #tpu.memory_space<semaphore_mem>>) src(%dma_wait3A_68 : memref<1000000x64xf32, #tpu.memory_space<hbm>>) dst(%arg8 : memref<128x64xf32, #tpu.memory_space<vmem>>)
    %add3A_69 = arith.constant 256 : i32
    %add3A_70 = arith.addi %mul3A_2, %add3A_69 : i32
    "tpu.region"() ({
      %run_scoped3A = tpu.sem_alloc : memref<!tpu.dma_semaphore, #tpu.memory_space<semaphore_mem>>
      %dma_start3A_97 = arith.constant 0 : i32
      %dma_start3A_98 = tpu.memref_slice %arg5[%add3A_70, %dma_start3A_97] : memref<16384x128xf32, #tpu.memory_space<hbm>> -> memref<128x64xf32, #tpu.memory_space<hbm>>
      %dma_start3A_99 = arith.constant 0 : i32
      %dma_start3A_100 = tpu.memref_slice %arg5[%add3A_70, %dma_start3A_99] : memref<16384x128xf32, #tpu.memory_space<hbm>> -> memref<128x64xf32, #tpu.memory_space<hbm>>
      tpu.enqueue_dma source(%arg8 : memref<128x64xf32, #tpu.memory_space<vmem>>) target(%dma_start3A_100 : memref<128x64xf32, #tpu.memory_space<hbm>>) target_semaphore(%run_scoped3A : memref<!tpu.dma_semaphore, #tpu.memory_space<semaphore_mem>>)
      %dma_wait3A_101 = arith.constant 0 : i32
      %dma_wait3A_102 = tpu.memref_slice %arg5[%add3A_70, %dma_wait3A_101] : memref<16384x128xf32, #tpu.memory_space<hbm>> -> memref<128x64xf32, #tpu.memory_space<hbm>>
      %dma_wait3A_103 = arith.constant 0 : i32
      %dma_wait3A_104 = tpu.memref_slice %arg5[%add3A_70, %dma_wait3A_103] : memref<16384x128xf32, #tpu.memory_space<hbm>> -> memref<128x64xf32, #tpu.memory_space<hbm>>
      tpu.wait_dma2 semaphore(%run_scoped3A : memref<!tpu.dma_semaphore, #tpu.memory_space<semaphore_mem>>) src(%arg8 : memref<128x64xf32, #tpu.memory_space<vmem>>) dst(%dma_wait3A_104 : memref<128x64xf32, #tpu.memory_space<hbm>>)
      tpu.yield
    }) : () -> ()
    %dma_start3A_71 = arith.constant 384 : i32
    %dma_start3A_72 = tpu.memref_slice %arg7[%dma_start3A_71] : memref<512xi32, #tpu.memory_space<vmem>> -> memref<128xi32, #tpu.memory_space<vmem>>
    %dma_start3A_73 = arith.constant 0 : i32
    %dma_start3A_74 = arith.constant 0 : i32
    %dma_start3A_75 = tpu.memref_slice %arg4[%dma_start3A_73, %dma_start3A_74] : memref<1000000x64xf32, #tpu.memory_space<hbm>> -> memref<1000000x64xf32, #tpu.memory_space<hbm>>
    tpu.enqueue_indirect_dma source(%dma_start3A_75 : memref<1000000x64xf32, #tpu.memory_space<hbm>>) target(%arg11 : memref<128x64xf32, #tpu.memory_space<vmem>>) offsets(%dma_start3A_72 : memref<128xi32, #tpu.memory_space<vmem>>) semaphore(%arg15 : memref<!tpu.dma_semaphore, #tpu.memory_space<semaphore_mem>>)
    %dma_wait3A_76 = arith.constant 256 : i32
    %dma_wait3A_77 = tpu.memref_slice %arg7[%dma_wait3A_76] : memref<512xi32, #tpu.memory_space<vmem>> -> memref<128xi32, #tpu.memory_space<vmem>>
    %dma_wait3A_78 = arith.constant 0 : i32
    %dma_wait3A_79 = arith.constant 0 : i32
    %dma_wait3A_80 = tpu.memref_slice %arg4[%dma_wait3A_78, %dma_wait3A_79] : memref<1000000x64xf32, #tpu.memory_space<hbm>> -> memref<1000000x64xf32, #tpu.memory_space<hbm>>
    tpu.wait_indirect_dma semaphore(%arg13 : memref<!tpu.dma_semaphore, #tpu.memory_space<semaphore_mem>>) src(%dma_wait3A_80 : memref<1000000x64xf32, #tpu.memory_space<hbm>>) dst(%arg9 : memref<128x64xf32, #tpu.memory_space<vmem>>)
    %add3A_81 = arith.constant 256 : i32
    %add3A_82 = arith.addi %mul3A_2, %add3A_81 : i32
    "tpu.region"() ({
      %run_scoped3A = tpu.sem_alloc : memref<!tpu.dma_semaphore, #tpu.memory_space<semaphore_mem>>
      %dma_start3A_97 = arith.constant 64 : i32
      %dma_start3A_98 = tpu.memref_slice %arg5[%add3A_82, %dma_start3A_97] : memref<16384x128xf32, #tpu.memory_space<hbm>> -> memref<128x64xf32, #tpu.memory_space<hbm>>
      %dma_start3A_99 = arith.constant 64 : i32
      %dma_start3A_100 = tpu.memref_slice %arg5[%add3A_82, %dma_start3A_99] : memref<16384x128xf32, #tpu.memory_space<hbm>> -> memref<128x64xf32, #tpu.memory_space<hbm>>
      tpu.enqueue_dma source(%arg9 : memref<128x64xf32, #tpu.memory_space<vmem>>) target(%dma_start3A_100 : memref<128x64xf32, #tpu.memory_space<hbm>>) target_semaphore(%run_scoped3A : memref<!tpu.dma_semaphore, #tpu.memory_space<semaphore_mem>>)
      %dma_wait3A_101 = arith.constant 64 : i32
      %dma_wait3A_102 = tpu.memref_slice %arg5[%add3A_82, %dma_wait3A_101] : memref<16384x128xf32, #tpu.memory_space<hbm>> -> memref<128x64xf32, #tpu.memory_space<hbm>>
      %dma_wait3A_103 = arith.constant 64 : i32
      %dma_wait3A_104 = tpu.memref_slice %arg5[%add3A_82, %dma_wait3A_103] : memref<16384x128xf32, #tpu.memory_space<hbm>> -> memref<128x64xf32, #tpu.memory_space<hbm>>
      tpu.wait_dma2 semaphore(%run_scoped3A : memref<!tpu.dma_semaphore, #tpu.memory_space<semaphore_mem>>) src(%arg9 : memref<128x64xf32, #tpu.memory_space<vmem>>) dst(%dma_wait3A_104 : memref<128x64xf32, #tpu.memory_space<hbm>>)
      tpu.yield
    }) : () -> ()
    %dma_wait3A_83 = arith.constant 384 : i32
    %dma_wait3A_84 = tpu.memref_slice %arg6[%dma_wait3A_83] : memref<512xi32, #tpu.memory_space<vmem>> -> memref<128xi32, #tpu.memory_space<vmem>>
    %dma_wait3A_85 = arith.constant 0 : i32
    %dma_wait3A_86 = arith.constant 0 : i32
    %dma_wait3A_87 = tpu.memref_slice %arg4[%dma_wait3A_85, %dma_wait3A_86] : memref<1000000x64xf32, #tpu.memory_space<hbm>> -> memref<1000000x64xf32, #tpu.memory_space<hbm>>
    tpu.wait_indirect_dma semaphore(%arg14 : memref<!tpu.dma_semaphore, #tpu.memory_space<semaphore_mem>>) src(%dma_wait3A_87 : memref<1000000x64xf32, #tpu.memory_space<hbm>>) dst(%arg10 : memref<128x64xf32, #tpu.memory_space<vmem>>)
    %add3A_88 = arith.constant 384 : i32
    %add3A_89 = arith.addi %mul3A_2, %add3A_88 : i32
    "tpu.region"() ({
      %run_scoped3A = tpu.sem_alloc : memref<!tpu.dma_semaphore, #tpu.memory_space<semaphore_mem>>
      %dma_start3A_97 = arith.constant 0 : i32
      %dma_start3A_98 = tpu.memref_slice %arg5[%add3A_89, %dma_start3A_97] : memref<16384x128xf32, #tpu.memory_space<hbm>> -> memref<128x64xf32, #tpu.memory_space<hbm>>
      %dma_start3A_99 = arith.constant 0 : i32
      %dma_start3A_100 = tpu.memref_slice %arg5[%add3A_89, %dma_start3A_99] : memref<16384x128xf32, #tpu.memory_space<hbm>> -> memref<128x64xf32, #tpu.memory_space<hbm>>
      tpu.enqueue_dma source(%arg10 : memref<128x64xf32, #tpu.memory_space<vmem>>) target(%dma_start3A_100 : memref<128x64xf32, #tpu.memory_space<hbm>>) target_semaphore(%run_scoped3A : memref<!tpu.dma_semaphore, #tpu.memory_space<semaphore_mem>>)
      %dma_wait3A_101 = arith.constant 0 : i32
      %dma_wait3A_102 = tpu.memref_slice %arg5[%add3A_89, %dma_wait3A_101] : memref<16384x128xf32, #tpu.memory_space<hbm>> -> memref<128x64xf32, #tpu.memory_space<hbm>>
      %dma_wait3A_103 = arith.constant 0 : i32
      %dma_wait3A_104 = tpu.memref_slice %arg5[%add3A_89, %dma_wait3A_103] : memref<16384x128xf32, #tpu.memory_space<hbm>> -> memref<128x64xf32, #tpu.memory_space<hbm>>
      tpu.wait_dma2 semaphore(%run_scoped3A : memref<!tpu.dma_semaphore, #tpu.memory_space<semaphore_mem>>) src(%arg10 : memref<128x64xf32, #tpu.memory_space<vmem>>) dst(%dma_wait3A_104 : memref<128x64xf32, #tpu.memory_space<hbm>>)
      tpu.yield
    }) : () -> ()
    %dma_wait3A_90 = arith.constant 384 : i32
    %dma_wait3A_91 = tpu.memref_slice %arg7[%dma_wait3A_90] : memref<512xi32, #tpu.memory_space<vmem>> -> memref<128xi32, #tpu.memory_space<vmem>>
    %dma_wait3A_92 = arith.constant 0 : i32
    %dma_wait3A_93 = arith.constant 0 : i32
    %dma_wait3A_94 = tpu.memref_slice %arg4[%dma_wait3A_92, %dma_wait3A_93] : memref<1000000x64xf32, #tpu.memory_space<hbm>> -> memref<1000000x64xf32, #tpu.memory_space<hbm>>
    tpu.wait_indirect_dma semaphore(%arg15 : memref<!tpu.dma_semaphore, #tpu.memory_space<semaphore_mem>>) src(%dma_wait3A_94 : memref<1000000x64xf32, #tpu.memory_space<hbm>>) dst(%arg11 : memref<128x64xf32, #tpu.memory_space<vmem>>)
    %add3A_95 = arith.constant 384 : i32
    %add3A_96 = arith.addi %mul3A_2, %add3A_95 : i32
    "tpu.region"() ({
      %run_scoped3A = tpu.sem_alloc : memref<!tpu.dma_semaphore, #tpu.memory_space<semaphore_mem>>
      %dma_start3A_97 = arith.constant 64 : i32
      %dma_start3A_98 = tpu.memref_slice %arg5[%add3A_96, %dma_start3A_97] : memref<16384x128xf32, #tpu.memory_space<hbm>> -> memref<128x64xf32, #tpu.memory_space<hbm>>
      %dma_start3A_99 = arith.constant 64 : i32
      %dma_start3A_100 = tpu.memref_slice %arg5[%add3A_96, %dma_start3A_99] : memref<16384x128xf32, #tpu.memory_space<hbm>> -> memref<128x64xf32, #tpu.memory_space<hbm>>
      tpu.enqueue_dma source(%arg11 : memref<128x64xf32, #tpu.memory_space<vmem>>) target(%dma_start3A_100 : memref<128x64xf32, #tpu.memory_space<hbm>>) target_semaphore(%run_scoped3A : memref<!tpu.dma_semaphore, #tpu.memory_space<semaphore_mem>>)
      %dma_wait3A_101 = arith.constant 64 : i32
      %dma_wait3A_102 = tpu.memref_slice %arg5[%add3A_96, %dma_wait3A_101] : memref<16384x128xf32, #tpu.memory_space<hbm>> -> memref<128x64xf32, #tpu.memory_space<hbm>>
      %dma_wait3A_103 = arith.constant 64 : i32
      %dma_wait3A_104 = tpu.memref_slice %arg5[%add3A_96, %dma_wait3A_103] : memref<16384x128xf32, #tpu.memory_space<hbm>> -> memref<128x64xf32, #tpu.memory_space<hbm>>
      tpu.wait_dma2 semaphore(%run_scoped3A : memref<!tpu.dma_semaphore, #tpu.memory_space<semaphore_mem>>) src(%arg11 : memref<128x64xf32, #tpu.memory_space<vmem>>) dst(%dma_wait3A_104 : memref<128x64xf32, #tpu.memory_space<hbm>>)
      tpu.yield
    }) : () -> ()
    return
  }
}

module attributes {stable_mosaic.version = 14 : i64} {
  func.func @body(%arg0: i32, %arg1: memref<1024x128xf32, #tpu.memory_space<vmem>>, %arg2: memref<64x64xf32, #tpu.memory_space<vmem>>, %arg3: memref<1x64xf32, #tpu.memory_space<vmem>>, %arg4: memref<64x32xf32, #tpu.memory_space<vmem>>, %arg5: memref<1x32xf32, #tpu.memory_space<vmem>>, %arg6: memref<32x1xf32, #tpu.memory_space<vmem>>, %arg7: memref<1x1xf32, #tpu.memory_space<vmem>>, %arg8: memref<1024x1xf32, #tpu.memory_space<vmem>>) attributes {dimension_semantics = [#tpu.dimension_semantics<arbitrary>], iteration_bounds = array<i64: 16>, scalar_prefetch = 0 : i64, scratch_operands = 0 : i64, tpu.core_type = #tpu.core_type<tc>, window_params = [{transform_indices = @transform_0, window_bounds = array<i64: 1024, 128>}, {pipeline_mode = #tpu.pipeline_mode<synchronous>, transform_indices = @transform_1, window_bounds = array<i64: 64, 64>}, {pipeline_mode = #tpu.pipeline_mode<synchronous>, transform_indices = @transform_2, window_bounds = array<i64: 1, 64>}, {pipeline_mode = #tpu.pipeline_mode<synchronous>, transform_indices = @transform_3, window_bounds = array<i64: 64, 32>}, {pipeline_mode = #tpu.pipeline_mode<synchronous>, transform_indices = @transform_4, window_bounds = array<i64: 1, 32>}, {pipeline_mode = #tpu.pipeline_mode<synchronous>, transform_indices = @transform_5, window_bounds = array<i64: 32, 1>}, {pipeline_mode = #tpu.pipeline_mode<synchronous>, transform_indices = @transform_6, window_bounds = array<i64: 1, 1>}, {transform_indices = @transform_7, window_bounds = array<i64: 1024, 1>}]} {
    %get3A = arith.constant 0 : index
    %get3A_0 = arith.constant 0 : index
    %get3A_1 = vector.load %arg1[%get3A, %get3A_0] : memref<1024x128xf32, #tpu.memory_space<vmem>>, vector<1024x64xf32>
    %get3A_2 = arith.constant 0 : index
    %get3A_3 = arith.constant 64 : index
    %get3A_4 = vector.load %arg1[%get3A_2, %get3A_3] : memref<1024x128xf32, #tpu.memory_space<vmem>>, vector<1024x64xf32>
    %mul3A = arith.mulf %get3A_1, %get3A_4 : vector<1024x64xf32>
    %get3A_5 = arith.constant 0 : index
    %get3A_6 = arith.constant 0 : index
    %get3A_7 = vector.load %arg2[%get3A_5, %get3A_6] : memref<64x64xf32, #tpu.memory_space<vmem>>, vector<64x64xf32>
    %dot_general3A = arith.constant dense<0.000000e+00> : vector<1024x64xf32>
    %dot_general3A_8 = tpu.matmul %mul3A, %get3A_7, %dot_general3A {dimension_numbers = #tpu.dot_dimension_numbers<[1], [0], [0], [1], [0, 0, 1, 1], [], []>, transpose_lhs_hint = false} : vector<1024x64xf32>, vector<64x64xf32>, vector<1024x64xf32> -> vector<1024x64xf32>
    %get3A_9 = arith.constant 0 : index
    %get3A_10 = arith.constant 0 : index
    %get3A_11 = vector.load %arg3[%get3A_9, %get3A_10] : memref<1x64xf32, #tpu.memory_space<vmem>>, vector<1x64xf32>
    %add3A = vector.broadcast %get3A_11 : vector<1x64xf32> to vector<1024x64xf32>
    %add3A_12 = arith.addf %dot_general3A_8, %add3A : vector<1024x64xf32>
    %max3A = arith.constant 0.000000e+00 : f32
    %max3A_13 = vector.broadcast %max3A : f32 to vector<1024x64xf32>
    %max3A_14 = arith.maximumf %add3A_12, %max3A_13 : vector<1024x64xf32>
    %get3A_15 = arith.constant 0 : index
    %get3A_16 = arith.constant 0 : index
    %get3A_17 = vector.load %arg4[%get3A_15, %get3A_16] : memref<64x32xf32, #tpu.memory_space<vmem>>, vector<64x32xf32>
    %dot_general3A_18 = arith.constant dense<0.000000e+00> : vector<1024x32xf32>
    %dot_general3A_19 = tpu.matmul %max3A_14, %get3A_17, %dot_general3A_18 {dimension_numbers = #tpu.dot_dimension_numbers<[1], [0], [0], [1], [0, 0, 1, 1], [], []>, transpose_lhs_hint = false} : vector<1024x64xf32>, vector<64x32xf32>, vector<1024x32xf32> -> vector<1024x32xf32>
    %get3A_20 = arith.constant 0 : index
    %get3A_21 = arith.constant 0 : index
    %get3A_22 = vector.load %arg5[%get3A_20, %get3A_21] : memref<1x32xf32, #tpu.memory_space<vmem>>, vector<1x32xf32>
    %add3A_23 = vector.broadcast %get3A_22 : vector<1x32xf32> to vector<1024x32xf32>
    %add3A_24 = arith.addf %dot_general3A_19, %add3A_23 : vector<1024x32xf32>
    %max3A_25 = arith.constant 0.000000e+00 : f32
    %max3A_26 = vector.broadcast %max3A_25 : f32 to vector<1024x32xf32>
    %max3A_27 = arith.maximumf %add3A_24, %max3A_26 : vector<1024x32xf32>
    %get3A_28 = arith.constant 0 : index
    %get3A_29 = arith.constant 0 : index
    %get3A_30 = vector.load %arg6[%get3A_28, %get3A_29] : memref<32x1xf32, #tpu.memory_space<vmem>>, vector<32x1xf32>
    %dot_general3A_31 = arith.constant dense<0.000000e+00> : vector<1024x1xf32>
    %dot_general3A_32 = tpu.matmul %max3A_27, %get3A_30, %dot_general3A_31 {dimension_numbers = #tpu.dot_dimension_numbers<[1], [0], [0], [1], [0, 0, 1, 1], [], []>, transpose_lhs_hint = false} : vector<1024x32xf32>, vector<32x1xf32>, vector<1024x1xf32> -> vector<1024x1xf32>
    %get3A_33 = arith.constant 0 : index
    %get3A_34 = arith.constant 0 : index
    %get3A_35 = vector.load %arg7[%get3A_33, %get3A_34] : memref<1x1xf32, #tpu.memory_space<vmem>>, vector<1x1xf32>
    %add3A_36 = vector.broadcast %get3A_35 : vector<1x1xf32> to vector<1024x1xf32>
    %add3A_37 = arith.addf %dot_general3A_32, %add3A_36 : vector<1024x1xf32>
    %logistic3A = arith.negf %add3A_37 : vector<1024x1xf32>
    %logistic3A_38 = math.exp %logistic3A : vector<1024x1xf32>
    %logistic3A_39 = arith.constant 1.000000e+00 : f32
    %logistic3A_40 = vector.broadcast %logistic3A_39 : f32 to vector<1024x1xf32>
    %logistic3A_41 = arith.addf %logistic3A_40, %logistic3A_38 : vector<1024x1xf32>
    %logistic3A_42 = arith.divf %logistic3A_40, %logistic3A_41 : vector<1024x1xf32>
    %swap3A = arith.constant 0 : index
    %swap3A_43 = arith.constant 0 : index
    %swap3A_44 = vector.load %arg8[%swap3A, %swap3A_43] : memref<1024x1xf32, #tpu.memory_space<vmem>>, vector<1024x1xf32>
    tpu.vector_store %arg8[%swap3A, %swap3A_43], %logistic3A_42 {strides = array<i32>} : memref<1024x1xf32, #tpu.memory_space<vmem>>, vector<1024x1xf32>,
    return
  }
  func.func @transform_0(%arg0: i32) -> (i32, i32) {
    %c0_i32 = arith.constant 0 : i32
    %c0_i32_0 = arith.constant 0 : i32
    return %arg0, %c0_i32 : i32, i32
  }
  func.func @transform_1(%arg0: i32) -> (i32, i32) {
    %c0_i32 = arith.constant 0 : i32
    %c0_i32_0 = arith.constant 0 : i32
    %c0_i32_1 = arith.constant 0 : i32
    return %c0_i32, %c0_i32_0 : i32, i32
  }
  func.func @transform_2(%arg0: i32) -> (i32, i32) {
    %c0_i32 = arith.constant 0 : i32
    %c0_i32_0 = arith.constant 0 : i32
    %c0_i32_1 = arith.constant 0 : i32
    return %c0_i32, %c0_i32_0 : i32, i32
  }
  func.func @transform_3(%arg0: i32) -> (i32, i32) {
    %c0_i32 = arith.constant 0 : i32
    %c0_i32_0 = arith.constant 0 : i32
    %c0_i32_1 = arith.constant 0 : i32
    return %c0_i32, %c0_i32_0 : i32, i32
  }
  func.func @transform_4(%arg0: i32) -> (i32, i32) {
    %c0_i32 = arith.constant 0 : i32
    %c0_i32_0 = arith.constant 0 : i32
    %c0_i32_1 = arith.constant 0 : i32
    return %c0_i32, %c0_i32_0 : i32, i32
  }
  func.func @transform_5(%arg0: i32) -> (i32, i32) {
    %c0_i32 = arith.constant 0 : i32
    %c0_i32_0 = arith.constant 0 : i32
    %c0_i32_1 = arith.constant 0 : i32
    return %c0_i32, %c0_i32_0 : i32, i32
  }
  func.func @transform_6(%arg0: i32) -> (i32, i32) {
    %c0_i32 = arith.constant 0 : i32
    %c0_i32_0 = arith.constant 0 : i32
    %c0_i32_1 = arith.constant 0 : i32
    return %c0_i32, %c0_i32_0 : i32, i32
  }
  func.func @transform_7(%arg0: i32) -> (i32, i32) {
    %c0_i32 = arith.constant 0 : i32
    %c0_i32_0 = arith.constant 0 : i32
    return %arg0, %c0_i32 : i32, i32
  }
}

</mosaic_0001>

<sc_bundles>
// kernel: kernel.4.cloned.1.call-start
scs
__scs_entry_jumppad:
0x0: {  	(pc) =	sbr.rel $0x88, $3  }
0x1: {  	(tag) =	ssettag $0x0;
	lr =	simm.s32 $0x1  }
0x2: {  	[smem:$0x3F98] =	sst lr;
	_ =	strace $0xD0000000  }
0x3: {  	_ = 	snop  }
0x4: {  	_ = 	snop  }
0x5: {  	_ = 	snop  }
0x6: {  	_ = 	snop  }
0x7: {  	_ = 	snop  }
__scs_overlays_trampoline_lowered:
0x8: {  	[smem:$0x3FA7] =	sst s0  }
0x9: {  	[smem:$0x3FA8] =	sst s1  }
0xa: {  	[smem:$0x3FA9] =	sst s2  }
0xb: {  	[smem:$0x3FAA] =	sst s3  }
0xc: {  	[smem:$0x3FAB] =	sst s4  }
0xd: {  	[smem:$0x3FAC] =	sst s5  }
0xe: {  	[smem:$0x3FAD] =	sst s6  }
0xf: {  	[smem:$0x3FAE] =	sst s7  }
0x10: {  	[smem:$0x3FAF] =	sst s8  }
0x11: {  	[smem:$0x3FB0] =	sst s9;
	s0 =	simm.s32 @!p0 $0x0  }
0x12: {  	s1 =	sld [smem:$0x3F96];
	s0 =	simm.s32 @p0 $0x1  }
0x13: {  	[smem:$0x3FB1] =	sst s0;
	s0 =	simm.s32 @!p1 $0x0  }
0x14: {  	s2 =	sld [smem:$0x3F95];
	s0 =	simm.s32 @p1 $0x1  }
0x15: {  	[smem:$0x3FB2] =	sst s0;
	s0 =	simm.s32 @!p2 $0x0  }
0x16: {  	s3 =	sld [smem:$0x3FDB];
	s0 =	simm.s32 @p2 $0x1  }
0x17: {  	s4 =	simm.s32 $0x1BF5;
	[smem:$0x3FB4] =	sst s0  }
0x18: {  	s0 =	sld [smem:$0x3F97];
	_ =	swait.ge [sflag:s4], $0x0  }
0x19: {  	s7 =	sld [smem:$0x3F98]  }
0x1a: {  	s8 =	sadd.s32 $0xFFFFE003, lr  }
0x1b: {  	s9 =	sadd.s32 $0xFFFFFEF7, lr;
	s5 =	simm.s32 $0xFFFFFFFF;
	p2 =	slt.u32 s8, $0xFFFFF086  }
0x1c: {  	p1 =	slt.u32 s9, $0xF7A;
	s5 =	simm.s32 @!p2 $0x0  }
0x1d: {  	s5 =	simm.s32 @p1 $0x1;
	p0 =	seq.s32 s7, s2  }
0x1e: {  	s7 =	smul.u32 @!p0 $0xF7A, s2;
	p2 =	seq.s32 @!p0 s5, $0x0  }
0x1f: {  	s9 =	smul.u32 $0xF7A, s1;
	s8 =	simm.s32 @!p0 $0x1BF5;
	p2 =	por !p2, p0  }
0x20: {  	[sflag:s8] =	ssyncset.s32 @!p0 $0xFFFFF086;
	s6 =	sadd.s32 @!p0 s3, s7;
	s7 =	simm.s32 @!p0 $0x108  }
0x21: {  	s3 =	sadd.s32 s3, s9;
	s6 =	sadd.s32 @!p0 $0x88, s6;
	s7 =	simm.s32 @p2 $0x1082  }
0x22: {  	[simem:s7], [sflag:s8] =	dma.local @!p0 [hbm:s6], $0xF7A  }
0x23: {  	s9 =	sor.u32 $0xD0000000, s2;
	s6 =	simm.s32 $0x108;
	_ =	swait.ge @!p0 [sflag:s8], $0x0  }
0x24: {  	s3 =	sadd.s32 $0x88, s3;
	s6 =	simm.s32 @!p1 $0x1082;
	[sflag:s4] =	ssyncset.s32 $0xFFFFF086  }
0x25: {  	[simem:s6], [sflag:s4] =	dma.local [hbm:s3], $0xF7A  }
0x26: {  	[smem:$0x3F98] =	sst s1;
	(tag) =	ssettag s2;
	_ =	strace s9  }
0x27: {  	s1 =	sld [smem:$0x3FA8]  }
0x28: {  	s2 =	sld [smem:$0x3FA9]  }
0x29: {  	s4 =	sld [smem:$0x3FAB]  }
0x2a: {  	p0 =	seq.s32 s5, $0x0;
	s5 =	sld [smem:$0x3FAC]  }
0x2b: {  	s6 =	sld [smem:$0x3FAD]  }
0x2c: {  	s7 =	sld [smem:$0x3FAE]  }
0x2d: {  	s3 =	simm.s32 $0x108;
	s8 =	sld [smem:$0x3FAF]  }
0x2e: {  	s3 =	simm.s32 @!p0 $0x1082;
	s9 =	sld [smem:$0x3FB0]  }
0x2f: {  	lr =	sadd.s32 s0, s3;
	s0 =	sld [smem:$0x3FA7]  }
0x30: {  	s3 =	sld [smem:$0x3FAA]  }
0x31: {  	[smem:$0x3FB3] =	sst s10  }
0x32: {  	s10 =	sld [smem:$0x3FB1];
	_ =	sdelay $0x3  }
0x33: {  	p0 =	seq.s32 s10, $0x1;
	s10 =	sld [smem:$0x3FB3];
	_ =	sdelay $0x3  }
0x34: {  	[smem:$0x3FB3] =	sst s10  }
0x35: {  	s10 =	sld [smem:$0x3FB2];
	_ =	sdelay $0x3  }
0x36: {  	p1 =	seq.s32 s10, $0x1;
	s10 =	sld [smem:$0x3FB3];
	_ =	sdelay $0x3  }
0x37: {  	[smem:$0x3FB3] =	sst s10  }
0x38: {  	s10 =	sld [smem:$0x3FB4]  }
0x39: {  	_ = 	snop;
	(pc) =	sbr.ind lr, $3  }
0x3a: {  	_ = 	snop  }
0x3b: {  	_ = 	snop  }
0x3c: {  	p2 =	seq.s32 s10, $0x1;
	s10 =	sld [smem:$0x3FB3]  }
0x3d: {  	_ =	shalt  }
0x3e: {  	_ =	shalt  }
0x3f: {  	_ =	shalt  }
0x40: {  	_ =	shalt  }
0x41: {  	_ =	shalt  }
0x42: {  	_ =	shalt  }
0x43: {  	_ =	shalt  }
0x44: {  	_ =	shalt  }
0x45: {  	_ =	shalt  }
0x46: {  	_ =	shalt  }
0x47: {  	_ =	shalt  }
0x48: {  	_ =	shalt  }
0x49: {  	_ =	shalt  }
0x4a: {  	_ =	shalt  }
0x4b: {  	_ =	shalt  }
0x4c: {  	_ =	shalt  }
0x4d: {  	_ =	shalt  }
0x4e: {  	_ =	shalt  }
0x4f: {  	_ =	shalt  }
0x50: {  	_ =	shalt  }
0x51: {  	_ =	shalt  }
0x52: {  	_ =	shalt  }
0x53: {  	_ =	shalt  }
0x54: {  	_ =	shalt  }
0x55: {  	_ =	shalt  }
0x56: {  	_ =	shalt  }
0x57: {  	_ =	shalt  }
0x58: {  	_ =	shalt  }
0x59: {  	_ =	shalt  }
0x5a: {  	_ =	shalt  }
0x5b: {  	_ =	shalt  }
0x5c: {  	_ =	shalt  }
0x5d: {  	_ =	shalt  }
0x5e: {  	_ =	shalt  }
0x5f: {  	_ =	shalt  }
0x60: {  	_ =	shalt  }
0x61: {  	_ =	shalt  }
0x62: {  	_ =	shalt  }
0x63: {  	_ =	shalt  }
0x64: {  	_ =	shalt  }
0x65: {  	_ =	shalt  }
0x66: {  	_ =	shalt  }
0x67: {  	_ =	shalt  }
0x68: {  	_ =	shalt  }
0x69: {  	_ =	shalt  }
0x6a: {  	_ =	shalt  }
0x6b: {  	_ =	shalt  }
0x6c: {  	_ =	shalt  }
0x6d: {  	_ =	shalt  }
0x6e: {  	_ =	shalt  }
0x6f: {  	_ =	shalt  }
0x70: {  	_ =	shalt  }
0x71: {  	_ =	shalt  }
0x72: {  	_ =	shalt  }
0x73: {  	_ =	shalt  }
0x74: {  	_ =	shalt  }
0x75: {  	_ =	shalt  }
0x76: {  	_ =	shalt  }
0x77: {  	_ =	shalt  }
0x78: {  	_ =	shalt  }
0x79: {  	_ =	shalt  }
0x7a: {  	_ =	shalt  }
0x7b: {  	_ =	shalt  }
0x7c: {  	_ =	shalt  }
0x7d: {  	_ =	shalt  }
0x7e: {  	_ =	shalt  }
0x7f: {  	_ =	shalt  }
0x80: {  	_ =	shalt  }
0x81: {  	_ =	shalt  }
0x82: {  	_ =	shalt  }
0x83: {  	_ =	shalt  }
0x84: {  	_ =	shalt  }
0x85: {  	_ =	shalt  }
0x86: {  	_ =	shalt  }
0x87: {  	_ =	shalt  }
.Lfunc_end0:
.L_simem_size_0:
called_computation_lowered:
.L_overlay_start_0:
0x88: {  	s2 =	sld [smem:$0x3FD9]  }
0x89: {  	s3 =	sld [smem:$0x3FFE];
	_ =	sdelay $0x1  }
0x8a: {  	s1 =	srdreg.scid  }
0x8b: {  	s0 =	sand.u32 $0x1, s1  }
0x8c: {  	s17 =	sshll.u32 s0, $0xA;
	s2 =	sadd.s32 s3, s2  }
0x8d: {  	s2 =	sadd.s32 s2, s17  }
0x8e: {  	[smem:$0x3FBF] =	sst s2  }
0x8f: {  	_ = 	snop  }
0x90: {  	s2 =	sld [smem:$0x3FC9]  }
0x91: {  	s18 =	sld [smem:$0x3FC8];
	(tm) =	ssettm $0x1  }
0x92: {  	s4 =	sld [smem:$0x3FFB];
	_ =	sdelay $0x3  }
0x93: {  	_ =	strace s4  }
0x94: {  	s4 =	sld [smem:$0x3FFC];
	_ =	sdelay $0x3  }
0x95: {  	_ =	strace s4  }
0x96: {  	s4 =	sld [smem:$0x3FFD];
	_ =	sdelay $0x3  }
0x97: {  	_ =	strace s4  }
0x98: {  	_ =	strace $0x8FFFFFFF  }
0x99: {  	s19 =	sld [smem:$0x3FDB];
	_ =	sdelay $0x1  }
0x9a: {  	s5 =	simm.s32 $_scs_section_size  }
0x9b: {  	s6 =	simm.s32 $_size__tile_overlayer_lowered;
	s7 =	simm.s32 $_tile_overlayer_lowered  }
0x9c: {  	s22 =	simm.s32 $0x1BFF;
	s21 =	sshll.u32 s7, $0x1;
	s4 =	sadd.s32 s5, s19  }
0x9d: {  	s8 =	simm.s32 $0x0;
	s20 =	sshll.u32 s6, $0x1;
	s6 =	sadd.s32 s21, s4  }
0x9e: {  	[timem:s8], [sflag:s22] =	dma.local [hbm:s6], s20  }
0x9f: {  	_ =	swait.ge [sflag:s22], s20  }
0xa0: {  	s5 =	ssub.s32 $0x0, s20;
	[sflag:s22] =	ssyncset.done $0x0  }
0xa1: {  	[sflag:s22] =	ssyncadd.s32 s5;
	_ =	sdelay $0x1  }
0xa2: {  	s23 =	simm.s32 $0x1B8B  }
0xa3: {  	_ =	swait.ge [sflag:s23], $0x1  }
0xa4: {  	[sflag:s23] =	ssyncset.done $0x0  }
0xa5: {  	s25 =	simm.s32 $0x1B8E;
	s24 =	sld [smem:$0x3FFE];
	[sflag:s23] =	ssyncadd.s32 $0xFFFFFFFF  }
0xa6: {  	s26 =	simm.s32 $execute0_lowered;
	[smem:$0x3FD2] =	sst s25  }
0xa7: {  	s6 =	sshll.u32 s26, $0x1;
	_ =	strace $0x80000046;
	[dreg:$0x1] =	wrdreg $0xFFFFFFFF  }
0xa8: {  	s28 =	simm.s32 $_size_execute0_lowered;
	s4 =	sadd.s32 s4, s6;
	[dreg:$0x0] =	wrdreg $0x0  }
0xa9: {  	s6 =	sshll.u32 s28, $0x1;
	[dreg:$0x2] =	wrdreg s4  }
0xaa: {  	[dreg:$0x3] =	wrdreg s6  }
0xab: {  	[dreg:$0x4] =	wrdreg $0xC0  }
0xac: {  	_ =	task [dreg:s8], $0x5FFFF  }
0xad: {  	[dreg:$0x1] =	wrdreg $0xFFFFFFFF  }
0xae: {  	[dreg:$0x0] =	wrdreg $0x60  }
0xaf: {  	[dreg:$0x2] =	wrdreg s2  }
0xb0: {  	[dreg:$0x3] =	wrdreg s18  }
0xb1: {  	[dreg:$0x4] =	wrdreg s24  }
0xb2: {  	[dreg:$0x5] =	wrdreg $0x9  }
0xb3: {  	_ =	task.clear_ibuf [dreg:s8], $0x6FFFF;
	_ =	strace $0x90000046  }
0xb4: {  	s29 =	simm.s32 $0x9;
	_ =	strace $0x80000048  }
0xb5: {  	_ =	swait.ge [sflag:s29], $0x1  }
0xb6: {  	[sflag:s29] =	ssyncadd.s32 $0xFFFFFFFF  }
0xb7: {  	_ =	strace $0x90000048  }
0xb8: {  	_ =	sfence  }
0xb9: {  	s30 =	sld [smem:$0x0];
	_ =	sdelay $0x2  }
0xba: {  	s31 =	sshll.u32 s1, $0xD;
	s1 =	sshrl.u32 s1, $0x2  }
0xbb: {  	s3 =	sand.u32 $0x4000, s31;
	s1 =	sadd.s32 s1, s30  }
0xbc: {  	s0 =	sor.u32 s3, s0;
	s1 =	sshll.u32 s1, $0x11  }
0xbd: {  	s0 =	sor.u32 s1, s0  }
0xbe: {  	s0 =	sadd.s32 $0x8F2B, s0  }
0xbf: {  	[sflag:s0] =	ssyncadd.remote.s32 $0x1  }
0xc0: {  	_ =	sfence.sel $0xFFFF  }
0xc1: {  	[dreg:$0x0] =	wrdreg $0xFFFFFFFF;
	(pc) =	sbr.abs _section_cstart, $3  }
0xc2: {  	[dreg:$0x1] =	wrdreg $0xFFFFFFFF  }
0xc3: {  	_ =	task.clear_ibuf [dreg:s8], $0x2FFFF;
	_ =	strace $0x9FFFFFFF  }
0xc4: {  	(tm) =	ssettm $0x7FFFFFFF  }
0xc5: {  	_ =	shalt  }
tec
execute0_lowered:
.L_overlay_start_1:
0x0: {  	(tag) =	ssettag $0x1  }
0x1: {  	s1 =	srdreg.scid  }
0x2: {  	s0 =	stileid.u32;
	s30 =	sand.u32 $0x1, s1  }
0x3: {  	s3 =	rddreg [dreg:$0x0];
	s5 =	sshll.u32 s0, $0xA;
	s6 =	sshll.u32 s30, $0x9  }
0x4: {  	s4 =	rddreg [dreg:$0x1];
	s13 =	sor.u32 s6, s5  }
0x5: {  	s12 =	rddreg [dreg:$0x2];
	s2 =	simm.s32 $0x0;
	s5 =	sshrl.u32 s13, $0x3  }
0x6: {  	[smem:$0x7FF] =	sst s2;
	s3 =	sadd.s32 s3, s5  }
0x7: {  	_ =	strace $0x80000047;
	[dreg:$0x4] =	wrdreg s3  }
0x8: {  	s3 =	simm.s32 $0x5;
	s26 =	rddreg [dreg:$0x4]  }
0x9: {  	[tilespmem:s2], [sflag:$0x5] =	stream.linear.gather [hbm4b:s26+s2], $0x200, $0x38;
	[tilespmem:$0x8400] =	vst v63  }
0xa: {  	_ =	swait.ge [sflag:s3], $0x200  }
0xb: {  	[sflag:s3] =	ssyncset.done $0x0  }
0xc: {  	s4 =	sadd.s32 s4, s5;
	s5 =	simm.s32 $0x200;
	[sflag:s3] =	ssyncadd.s32 $0xFFFFFE00  }
0xd: {  	[tilespmem:s5], [sflag:$0x5] =	stream.linear.gather [hbm4b:s4+s2], $0x200, $0x38;
	[tilespmem:$0x8400] =	vst v63  }
0xe: {  	_ =	swait.ge [sflag:s3], $0x200  }
0xf: {  	s7 =	simm.s32 $0x80;
	[sflag:s3] =	ssyncset.done $0x0  }
0x10: {  	s8 =	simm.s32 $0x400;
	s6 =	sadd.s32 $0xF43000, s12;
	[sflag:s3] =	ssyncadd.s32 $0xFFFFFE00  }
0x11: {  	[tilespmem:s8], [sflag:$0x1] =	stream.indirect.gather [hbm4b:s6+s7], $0x40, s2, s7, $0xb8;
	[tilespmem:$0x8400] =	vst v63  }
0x12: {  	s9 =	simm.s32 $0x2400  }
0x13: {  	[tilespmem:s9], [sflag:$0x2] =	stream.indirect.gather [hbm4b:s6+s7], $0x40, s5, s7, $0xb8;
	[tilespmem:$0x8400] =	vst v63  }
0x14: {  	s10 =	simm.s32 $0x4400;
	s11 =	simm.s32 $0x1  }
0x15: {  	[tilespmem:s10], [sflag:$0x3] =	stream.indirect.gather [hbm4b:s6+s7], $0x40, s7, s7, $0xb8;
	[tilespmem:$0x8400] =	vst v63  }
0x16: {  	s13 =	sshll.u32 s13, $0x4;
	_ =	swait.ge [sflag:s11], $0x2000  }
0x17: {  	s31 =	sadd.s32 s13, s12;
	[sflag:s11] =	ssyncset.done $0x0  }
0x18: {  	s13 =	simm.s32 $0x40;
	s12 =	sadd.s32 $0xC00, s31;
	[sflag:s11] =	ssyncadd.s32 $0xFFFFE000  }
0x19: {  	[hbm4b:s12+s13] =	stream.strided.scatter [tilespmem:s8], [sflag:$0x5], $0x2000, s7, s13, $0x38;
	[tilespmem:$0x8400] =	vst v63  }
0x1a: {  	_ =	swait.ge [sflag:s3], $0x2000  }
0x1b: {  	s14 =	simm.s32 $0x280;
	[sflag:s3] =	ssyncset.done $0x0  }
0x1c: {  	s15 =	simm.s32 $0x6400;
	s16 =	simm.s32 $0x2;
	[sflag:s3] =	ssyncadd.s32 $0xFFFFE000  }
0x1d: {  	[tilespmem:s15], [sflag:$0x4] =	stream.indirect.gather [hbm4b:s6+s7], $0x40, s14, s7, $0xb8;
	[tilespmem:$0x8400] =	vst v63  }
0x1e: {  	_ =	swait.ge [sflag:s16], $0x2000  }
0x1f: {  	[sflag:s16] =	ssyncset.done $0x0  }
0x20: {  	s17 =	sadd.s32 $0xC08, s31;
	[sflag:s16] =	ssyncadd.s32 $0xFFFFE000  }
0x21: {  	[hbm4b:s17+s13] =	stream.strided.scatter [tilespmem:s9], [sflag:$0x5], $0x2000, s7, s13, $0x38;
	[tilespmem:$0x8400] =	vst v63  }
0x22: {  	_ =	swait.ge [sflag:s3], $0x2000  }
0x23: {  	[sflag:s3] =	ssyncset.done $0x0  }
0x24: {  	s18 =	simm.s32 $0x100;
	s19 =	simm.s32 $0x3;
	[sflag:s3] =	ssyncadd.s32 $0xFFFFE000  }
0x25: {  	[tilespmem:s8], [sflag:$0x1] =	stream.indirect.gather [hbm4b:s6+s7], $0x40, s18, s7, $0xb8;
	[tilespmem:$0x8400] =	vst v63  }
0x26: {  	_ =	swait.ge [sflag:s19], $0x2000  }
0x27: {  	[sflag:s19] =	ssyncset.done $0x0  }
0x28: {  	s20 =	sadd.s32 $0x1400, s31;
	[sflag:s19] =	ssyncadd.s32 $0xFFFFE000  }
0x29: {  	[hbm4b:s20+s13] =	stream.strided.scatter [tilespmem:s10], [sflag:$0x5], $0x2000, s7, s13, $0x38;
	[tilespmem:$0x8400] =	vst v63  }
0x2a: {  	_ =	swait.ge [sflag:s3], $0x2000  }
0x2b: {  	[sflag:s3] =	ssyncset.done $0x0  }
0x2c: {  	s21 =	simm.s32 $0x300;
	s22 =	simm.s32 $0x4;
	[sflag:s3] =	ssyncadd.s32 $0xFFFFE000  }
0x2d: {  	[tilespmem:s9], [sflag:$0x2] =	stream.indirect.gather [hbm4b:s6+s7], $0x40, s21, s7, $0xb8;
	[tilespmem:$0x8400] =	vst v63  }
0x2e: {  	_ =	swait.ge [sflag:s22], $0x2000  }
0x2f: {  	[sflag:s22] =	ssyncset.done $0x0  }
0x30: {  	s23 =	sadd.s32 $0x1408, s31;
	[sflag:s22] =	ssyncadd.s32 $0xFFFFE000  }
0x31: {  	[hbm4b:s23+s13] =	stream.strided.scatter [tilespmem:s15], [sflag:$0x5], $0x2000, s7, s13, $0x38;
	[tilespmem:$0x8400] =	vst v63  }
0x32: {  	_ =	swait.ge [sflag:s3], $0x2000  }
0x33: {  	[sflag:s3] =	ssyncset.done $0x0  }
0x34: {  	s24 =	simm.s32 $0x180;
	[sflag:s3] =	ssyncadd.s32 $0xFFFFE000  }
0x35: {  	[tilespmem:s10], [sflag:$0x3] =	stream.indirect.gather [hbm4b:s6+s7], $0x40, s24, s7, $0xb8;
	[tilespmem:$0x8400] =	vst v63  }
0x36: {  	_ =	swait.ge [sflag:s11], $0x2000  }
0x37: {  	[sflag:s11] =	ssyncset.done $0x0  }
0x38: {  	s25 =	sadd.s32 $0x1C00, s31;
	[sflag:s11] =	ssyncadd.s32 $0xFFFFE000  }
0x39: {  	[hbm4b:s25+s13] =	stream.strided.scatter [tilespmem:s8], [sflag:$0x5], $0x2000, s7, s13, $0x38;
	[tilespmem:$0x8400] =	vst v63  }
0x3a: {  	_ =	swait.ge [sflag:s3], $0x2000  }
0x3b: {  	[sflag:s3] =	ssyncset.done $0x0  }
0x3c: {  	s26 =	simm.s32 $0x380;
	[sflag:s3] =	ssyncadd.s32 $0xFFFFE000  }
0x3d: {  	[tilespmem:s15], [sflag:$0x4] =	stream.indirect.gather [hbm4b:s6+s7], $0x40, s26, s7, $0xb8;
	[tilespmem:$0x8400] =	vst v63  }
0x3e: {  	_ =	swait.ge [sflag:s16], $0x2000  }
0x3f: {  	[sflag:s16] =	ssyncset.done $0x0  }
0x40: {  	s28 =	sadd.s32 $0x1C08, s31;
	[sflag:s16] =	ssyncadd.s32 $0xFFFFE000  }
0x41: {  	[hbm4b:s28+s13] =	stream.strided.scatter [tilespmem:s9], [sflag:$0x5], $0x2000, s7, s13, $0x38;
	[tilespmem:$0x8400] =	vst v63  }
0x42: {  	_ =	swait.ge [sflag:s3], $0x2000  }
0x43: {  	[sflag:s3] =	ssyncset.done $0x0  }
0x44: {  	[sflag:s3] =	ssyncadd.s32 $0xFFFFE000  }
0x45: {  	_ =	swait.ge [sflag:s19], $0x2000  }
0x46: {  	s30 =	ssub.s32 $0x2, s30;
	[sflag:s19] =	ssyncset.done $0x0  }
0x47: {  	s1 =	sshrl.u32 s30, $0x1;
	s29 =	sadd.s32 $0x2400, s31;
	[sflag:s19] =	ssyncadd.s32 $0xFFFFE000  }
0x48: {  	[hbm4b:s29+s13] =	stream.strided.scatter [tilespmem:s10], [sflag:$0x5], $0x2000, s7, s13, $0x38;
	[tilespmem:$0x8400] =	vst v63  }
0x49: {  	s1 =	ssub.s32 s30, s1;
	_ =	swait.ge [sflag:s3], $0x2000  }
0x4a: {  	s1 =	smax.u32 s1, $0x1;
	[sflag:s3] =	ssyncset.done $0x0  }
0x4b: {  	p0 =	sne.s32 s1, $0x1;
	[sflag:s3] =	ssyncadd.s32 $0xFFFFE000  }
.Ltmp0:
0x4c: {  	_ =	swait.ge [sflag:s22], $0x2000;
	(pc) =	sbr.rel @!p0 .LBB2_2-.Ltmp0, $4  }
0x4d: {  	[sflag:s22] =	ssyncset.done $0x0  }
0x4e: {  	s30 =	sadd.s32 $0x2408, s31;
	[sflag:s22] =	ssyncadd.s32 $0xFFFFE000  }
0x4f: {  	[hbm4b:s30+s13] =	stream.strided.scatter [tilespmem:s15], [sflag:$0x5], $0x2000, s7, s13, $0x38;
	[tilespmem:$0x8400] =	vst v63  }
0x50: {  	s31 =	sadd.s32 $0xFFFFFFFF, s1;
	_ =	swait.ge [sflag:s3], $0x2000  }
.LBB2_1:
0x51: {  	[sflag:s3] =	ssyncset.done $0x0  }
0x52: {  	s1 =	rddreg [dreg:$0x4];
	[sflag:s3] =	ssyncadd.s32 $0xFFFFE000  }
0x53: {  	[tilespmem:s2], [sflag:$0x5] =	stream.linear.gather [hbm4b:s1+s2], $0x200, $0x38;
	[tilespmem:$0x8400] =	vst v63  }
0x54: {  	_ =	swait.ge [sflag:s3], $0x200  }
0x55: {  	[sflag:s3] =	ssyncset.done $0x0  }
0x56: {  	[sflag:s3] =	ssyncadd.s32 $0xFFFFFE00  }
0x57: {  	[tilespmem:s5], [sflag:$0x5] =	stream.linear.gather [hbm4b:s4+s2], $0x200, $0x38;
	[tilespmem:$0x8400] =	vst v63  }
0x58: {  	_ =	swait.ge [sflag:s3], $0x200  }
0x59: {  	[sflag:s3] =	ssyncset.done $0x0  }
0x5a: {  	[sflag:s3] =	ssyncadd.s32 $0xFFFFFE00  }
0x5b: {  	[tilespmem:s8], [sflag:$0x1] =	stream.indirect.gather [hbm4b:s6+s7], $0x40, s2, s7, $0xb8;
	[tilespmem:$0x8400] =	vst v63  }
0x5c: {  	_ = 	snop  }
0x5d: {  	[tilespmem:s9], [sflag:$0x2] =	stream.indirect.gather [hbm4b:s6+s7], $0x40, s5, s7, $0xb8;
	[tilespmem:$0x8400] =	vst v63  }
0x5e: {  	_ = 	snop  }
0x5f: {  	[tilespmem:s10], [sflag:$0x3] =	stream.indirect.gather [hbm4b:s6+s7], $0x40, s7, s7, $0xb8;
	[tilespmem:$0x8400] =	vst v63  }
0x60: {  	_ =	swait.ge [sflag:s11], $0x2000  }
0x61: {  	[sflag:s11] =	ssyncset.done $0x0  }
0x62: {  	[sflag:s11] =	ssyncadd.s32 $0xFFFFE000  }
0x63: {  	[hbm4b:s12+s13] =	stream.strided.scatter [tilespmem:s8], [sflag:$0x5], $0x2000, s7, s13, $0x38;
	[tilespmem:$0x8400] =	vst v63  }
0x64: {  	_ =	swait.ge [sflag:s3], $0x2000  }
0x65: {  	[sflag:s3] =	ssyncset.done $0x0  }
0x66: {  	[sflag:s3] =	ssyncadd.s32 $0xFFFFE000  }
0x67: {  	[tilespmem:s15], [sflag:$0x4] =	stream.indirect.gather [hbm4b:s6+s7], $0x40, s14, s7, $0xb8;
	[tilespmem:$0x8400] =	vst v63  }
0x68: {  	_ =	swait.ge [sflag:s16], $0x2000  }
0x69: {  	[sflag:s16] =	ssyncset.done $0x0  }
0x6a: {  	[sflag:s16] =	ssyncadd.s32 $0xFFFFE000  }
0x6b: {  	[hbm4b:s17+s13] =	stream.strided.scatter [tilespmem:s9], [sflag:$0x5], $0x2000, s7, s13, $0x38;
	[tilespmem:$0x8400] =	vst v63  }
0x6c: {  	_ =	swait.ge [sflag:s3], $0x2000  }
0x6d: {  	[sflag:s3] =	ssyncset.done $0x0  }
0x6e: {  	[sflag:s3] =	ssyncadd.s32 $0xFFFFE000  }
0x6f: {  	[tilespmem:s8], [sflag:$0x1] =	stream.indirect.gather [hbm4b:s6+s7], $0x40, s18, s7, $0xb8;
	[tilespmem:$0x8400] =	vst v63  }
0x70: {  	_ =	swait.ge [sflag:s19], $0x2000  }
0x71: {  	[sflag:s19] =	ssyncset.done $0x0  }
0x72: {  	[sflag:s19] =	ssyncadd.s32 $0xFFFFE000  }
0x73: {  	[hbm4b:s20+s13] =	stream.strided.scatter [tilespmem:s10], [sflag:$0x5], $0x2000, s7, s13, $0x38;
	[tilespmem:$0x8400] =	vst v63  }
0x74: {  	_ =	swait.ge [sflag:s3], $0x2000  }
0x75: {  	[sflag:s3] =	ssyncset.done $0x0  }
0x76: {  	[sflag:s3] =	ssyncadd.s32 $0xFFFFE000  }
0x77: {  	[tilespmem:s9], [sflag:$0x2] =	stream.indirect.gather [hbm4b:s6+s7], $0x40, s21, s7, $0xb8;
	[tilespmem:$0x8400] =	vst v63  }
0x78: {  	_ =	swait.ge [sflag:s22], $0x2000  }
0x79: {  	[sflag:s22] =	ssyncset.done $0x0  }
0x7a: {  	[sflag:s22] =	ssyncadd.s32 $0xFFFFE000  }
0x7b: {  	[hbm4b:s23+s13] =	stream.strided.scatter [tilespmem:s15], [sflag:$0x5], $0x2000, s7, s13, $0x38;
	[tilespmem:$0x8400] =	vst v63  }
0x7c: {  	_ =	swait.ge [sflag:s3], $0x2000  }
0x7d: {  	[sflag:s3] =	ssyncset.done $0x0  }
0x7e: {  	[sflag:s3] =	ssyncadd.s32 $0xFFFFE000  }
0x7f: {  	[tilespmem:s10], [sflag:$0x3] =	stream.indirect.gather [hbm4b:s6+s7], $0x40, s24, s7, $0xb8;
	[tilespmem:$0x8400] =	vst v63  }
0x80: {  	_ =	swait.ge [sflag:s11], $0x2000  }
0x81: {  	[sflag:s11] =	ssyncset.done $0x0  }
0x82: {  	[sflag:s11] =	ssyncadd.s32 $0xFFFFE000  }
0x83: {  	[hbm4b:s25+s13] =	stream.strided.scatter [tilespmem:s8], [sflag:$0x5], $0x2000, s7, s13, $0x38;
	[tilespmem:$0x8400] =	vst v63  }
0x84: {  	_ =	swait.ge [sflag:s3], $0x2000  }
0x85: {  	[sflag:s3] =	ssyncset.done $0x0  }
0x86: {  	[sflag:s3] =	ssyncadd.s32 $0xFFFFE000  }
0x87: {  	[tilespmem:s15], [sflag:$0x4] =	stream.indirect.gather [hbm4b:s6+s7], $0x40, s26, s7, $0xb8;
	[tilespmem:$0x8400] =	vst v63  }
0x88: {  	_ =	swait.ge [sflag:s16], $0x2000  }
0x89: {  	[sflag:s16] =	ssyncset.done $0x0  }
0x8a: {  	[sflag:s16] =	ssyncadd.s32 $0xFFFFE000  }
0x8b: {  	[hbm4b:s28+s13] =	stream.strided.scatter [tilespmem:s9], [sflag:$0x5], $0x2000, s7, s13, $0x38;
	[tilespmem:$0x8400] =	vst v63  }
0x8c: {  	_ =	swait.ge [sflag:s3], $0x2000  }
0x8d: {  	[sflag:s3] =	ssyncset.done $0x0  }
0x8e: {  	[sflag:s3] =	ssyncadd.s32 $0xFFFFE000  }
0x8f: {  	_ =	swait.ge [sflag:s19], $0x2000  }
0x90: {  	[sflag:s19] =	ssyncset.done $0x0  }
0x91: {  	[sflag:s19] =	ssyncadd.s32 $0xFFFFE000  }
0x92: {  	[hbm4b:s29+s13] =	stream.strided.scatter [tilespmem:s10], [sflag:$0x5], $0x2000, s7, s13, $0x38;
	[tilespmem:$0x8400] =	vst v63  }
0x93: {  	_ =	swait.ge [sflag:s3], $0x2000  }
0x94: {  	[sflag:s3] =	ssyncset.done $0x0  }
0x95: {  	p0 =	sne.s32 s31, $0x1;
	[sflag:s3] =	ssyncadd.s32 $0xFFFFE000  }
.Ltmp1:
0x96: {  	_ =	swait.ge [sflag:s22], $0x2000;
	(pc) =	sbr.rel @p0 .LBB2_1-.Ltmp1, $4  }
0x97: {  	[sflag:s22] =	ssyncset.done $0x0  }
0x98: {  	[sflag:s22] =	ssyncadd.s32 $0xFFFFE000  }
0x99: {  	[hbm4b:s30+s13] =	stream.strided.scatter [tilespmem:s15], [sflag:$0x5], $0x2000, s7, s13, $0x38;
	[tilespmem:$0x8400] =	vst v63  }
0x9a: {  	s31 =	sadd.s32 $0xFFFFFFFF, s31;
	_ =	swait.ge [sflag:s3], $0x2000  }
.LBB2_2:
0x9b: {  	[sflag:s3] =	ssyncset.done $0x0  }
0x9c: {  	[sflag:s3] =	ssyncadd.s32 $0xFFFFE000  }
0x9d: {  	_ =	sfence.sel $0x180000  }
0x9e: {  	[bflag:$0x0] =	sbarrier.arrive $0xFFFF  }
0x9f: {  	_ =	strace $0x90000047  }
0xa0: {  	[bflag:$0x2] =	sbarrier.arrive $0xFFFF  }
0xa1: {  	p0 =	sne.s32 s0, $0x0;
	s0 =	rddreg [dreg:$0x3]  }
0xa2: {  	s0 =	sadd.s32 @!p0 $0x100000, s0  }
0xa3: {  	[sflag:s0] =	ssyncadd.tile.s32 @!p0 $0x1;
	_ =	shalt  }
.Lfunc_end2:
_tile_overlayer_lowered:
.L_overlay_start_2:
0xa4: {  	(tag) =	ssettag $0x2  }
0xa5: {  	s0 =	rddreg [dreg:$0x0];
	s2 =	stileid.u32  }
0xa6: {  	s1 =	rddreg [dreg:$0x1];
	p0 =	sne.s32 s2, $0x0  }
0xa7: {  	s3 =	rddreg [dreg:$0x2];
	[bflag:$0x3] =	sbarrier.arrive $0xFFFF;
	s2 =	simm.s32 @!p0 $0x1C05  }
0xa8: {  	[timem:s3], [sflag:s2] =	dma.local @!p0 [hbm:s0], s1  }
0xa9: {  	s0 =	simm.s32 @!p0 $0x5  }
0xaa: {  	_ =	swait.ge @!p0 [sflag:s0], s1  }
0xab: {  	s1 =	ssub.s32 @!p0 $0x0, s1;
	[sflag:s0] =	ssyncset.done @!p0 $0x0  }
0xac: {  	[sflag:s0] =	ssyncadd.s32 @!p0 s1  }
0xad: {  	[bflag:$0x3] =	sbarrier.arrive $0xFFFF  }
0xae: {  	_ =	shalt  }

</sc_bundles>
